<compile_context>
chip_gen: v7x
topology: tpu7x:2x2x1
jax: 0.10.2.dev20260603
libtpu: 0.0.44.dev20260713+nightly
codegen_flags: <defaults>
</compile_context>

<pallas_src>
import jax
import jax.numpy as jnp
from jax import lax
from jax.experimental import pallas as pl
from jax.experimental.pallas import tpu as pltpu
from jax.experimental.pallas import tpu_sc as plsc

_TILE = 2048
_EPS = 1e-6


def _tc_body(x_ref, y_ref, xnT_ref, ynT_ref,
             dist_ref, idxx_ref, idxy_ref, xh_ref, yh_ref):
    n = pl.program_id(0)
    nbatch = pl.num_programs(0)
    P1 = x_ref.shape[1]
    P2 = y_ref.shape[1]
    nt = P2 // _TILE

    x = x_ref[0]
    x2 = jnp.sum(x * x, axis=1, keepdims=True)

    xnT = xnT_ref[0]
    ynT = ynT_ref[0]
    xh_ref[0] = xnT / jnp.maximum(
        jnp.sqrt(jnp.sum(xnT * xnT, axis=0, keepdims=True)), _EPS)
    yh_ref[0] = ynT / jnp.maximum(
        jnp.sqrt(jnp.sum(ynT * ynT, axis=0, keepdims=True)), _EPS)

    big = jnp.float32(3.4e38)
    bigi = jnp.int32(2**30)

    def tile_step(t, carry):
        run_min, run_idx, s_cham_y = carry
        yt = y_ref[0, pl.ds(t * _TILE, _TILE), :]
        y2t = jnp.sum(yt * yt, axis=1)[None, :]
        xy = lax.dot_general(x, yt, (((1,), (1,)), ((), ())),
                             preferred_element_type=jnp.float32)
        d = x2 + y2t - 2.0 * xy

        riota = lax.broadcasted_iota(jnp.int32, (P1, _TILE), 0)
        cmin = jnp.min(d, axis=0, keepdims=True)
        cidx = jnp.min(jnp.where(d == cmin, riota, bigi),
                       axis=0, keepdims=True)
        idxy_ref[0, 0, pl.ds(t * _TILE, _TILE)] = cidx[0]
        s_cham_y = s_cham_y + jnp.sum(cmin)

        ciota = lax.broadcasted_iota(jnp.int32, (P1, _TILE), 1)
        tmin = jnp.min(d, axis=1, keepdims=True)
        tidx = jnp.min(jnp.where(d == tmin, ciota, bigi),
                       axis=1, keepdims=True) + t * _TILE
        better = tmin < run_min
        run_min = jnp.where(better, tmin, run_min)
        run_idx = jnp.where(better, tidx, run_idx)
        return run_min, run_idx, s_cham_y

    run_min, run_idx, s_cham_y = lax.fori_loop(
        0, nt, tile_step,
        (jnp.full((P1, 1), big, jnp.float32),
         jnp.zeros((P1, 1), jnp.int32),
         jnp.float32(0.0)))

    idxx_ref[0] = run_idx

    s_cham_x = jnp.sum(run_min)
    d_contrib = (s_cham_x / P1 + s_cham_y / P2) / nbatch

    @pl.when(n == 0)
    def _init():
        dist_ref[...] = jnp.zeros((1, 1), jnp.float32)

    dist_ref[...] += d_contrib.reshape(1, 1)


def _sc_body(xh_hbm, yh_hbm, idxx_hbm, idxy_hbm, out_hbm,
             xh_v, yh_v, ix_v, iy_v, acc_v):
    c = lax.axis_index("c")
    s = lax.axis_index("s")
    wid = s * 2 + c
    b = wid // 4
    base = (wid % 4) * 512
    P = 2048

    pltpu.sync_copy(xh_hbm.at[b], xh_v)
    pltpu.sync_copy(yh_hbm.at[b], yh_v)
    pltpu.sync_copy(idxx_hbm.at[b, pl.ds(base, 512)], ix_v)
    pltpu.sync_copy(idxy_hbm.at[b, pl.ds(base, 512)], iy_v)

    hi = jnp.full((16,), P - 1, jnp.int32)

    def step(i, acc):
        ix = jnp.minimum(ix_v[pl.ds(i * 16, 16)], hi)
        iy = jnp.minimum(iy_v[pl.ds(i * 16, 16)], hi)
        cx = jnp.zeros((16,), jnp.float32)
        cy = jnp.zeros((16,), jnp.float32)
        for k in range(3):
            gx = plsc.load_gather(yh_v, [ix + k * P])
            gy = plsc.load_gather(xh_v, [iy + k * P])
            ax = xh_v[pl.ds(k * P + base + i * 16, 16)]
            ay = yh_v[pl.ds(k * P + base + i * 16, 16)]
            cx = cx + ax * gx
            cy = cy + ay * gy
        return acc + (2.0 - jnp.abs(cx) - jnp.abs(cy))

    acc = lax.fori_loop(0, 32, step, jnp.zeros((16,), jnp.float32))
    acc_v[...] = acc
    pltpu.sync_copy(acc_v, out_hbm.at[wid])


def _sc_normals(xh, yh, idxx, idxy):
    fn = pl.kernel(
        _sc_body,
        out_type=jax.ShapeDtypeStruct((32, 16), jnp.float32),
        mesh=plsc.VectorSubcoreMesh(core_axis_name="c", subcore_axis_name="s"),
        scratch_types=[
            pltpu.VMEM((3 * 2048,), jnp.float32),
            pltpu.VMEM((3 * 2048,), jnp.float32),
            pltpu.VMEM((512,), jnp.int32),
            pltpu.VMEM((512,), jnp.int32),
            pltpu.VMEM((16,), jnp.float32),
        ],
        compiler_params=pltpu.CompilerParams(needs_layout_passes=False),
    )
    return fn(xh, yh, idxx, idxy)


def kernel(x, y, x_normals, y_normals):
    N, P1, D = x.shape
    P2 = y.shape[1]
    xnT = jnp.transpose(x_normals, (0, 2, 1))
    ynT = jnp.transpose(y_normals, (0, 2, 1))
    dist, idxx, idxy, xh, yh = pl.pallas_call(
        _tc_body,
        grid=(N,),
        in_specs=[
            pl.BlockSpec((1, P1, D), lambda n: (n, 0, 0)),
            pl.BlockSpec((1, P2, D), lambda n: (n, 0, 0)),
            pl.BlockSpec((1, D, P1), lambda n: (n, 0, 0)),
            pl.BlockSpec((1, D, P2), lambda n: (n, 0, 0)),
        ],
        out_specs=[
            pl.BlockSpec((1, 1), lambda n: (0, 0)),
            pl.BlockSpec((1, P1, 1), lambda n: (n, 0, 0)),
            pl.BlockSpec((1, 1, P2), lambda n: (n, 0, 0)),
            pl.BlockSpec((1, D, P1), lambda n: (n, 0, 0)),
            pl.BlockSpec((1, D, P2), lambda n: (n, 0, 0)),
        ],
        out_shape=[
            jax.ShapeDtypeStruct((1, 1), jnp.float32),
            jax.ShapeDtypeStruct((N, P1, 1), jnp.int32),
            jax.ShapeDtypeStruct((N, 1, P2), jnp.int32),
            jax.ShapeDtypeStruct((N, D, P1), jnp.float32),
            jax.ShapeDtypeStruct((N, D, P2), jnp.float32),
        ],
    )(x, y, xnT, ynT)
    partials = _sc_normals(xh.reshape(N, D * P1), yh.reshape(N, D * P2),
                           idxx.reshape(N, P1), idxy.reshape(N, P2))
    cham_normals = jnp.sum(partials) / (P1 * N)
    return (dist[0, 0], cham_normals)

# --- scband reference (transcript-rebuilt; emitter-appended) ---
"""Pipeline reference for scband-p2-mloss-32298154066350 (READ-ONLY COPY).

The authoritative reference and input builder live on the scoring server;
editing this copy changes nothing except your own understanding.
"""

import jax, jax.numpy as jnp
import numpy as np


def setup_inputs(seed: int = 0) -> dict:
    key = jax.random.key(seed)
    k1, k2, k3, k4 = jax.random.split(key, 4)
    N, P1, P2, D = 8, 2048, 2048, 3
    x = jax.random.normal(k1, (N, P1, D), dtype=jnp.float32)
    y = jax.random.normal(k2, (N, P2, D), dtype=jnp.float32)
    x_normals = jax.random.normal(k3, (N, P1, D), dtype=jnp.float32)
    y_normals = jax.random.normal(k4, (N, P2, D), dtype=jnp.float32)
    return {"x": x, "y": y, "x_normals": x_normals, "y_normals": y_normals}


def _cosine_similarity(a, b, eps=1e-06):
    na = jnp.maximum(jnp.linalg.norm(a, axis=-1), eps)
    nb = jnp.maximum(jnp.linalg.norm(b, axis=-1), eps)
    return jnp.sum(a * b, axis=-1) / (na * nb)


def reference(x, y, x_normals, y_normals):
    # chamfer_distance core of P2MLoss: brute-force K=1 knn both directions,
    # homogeneous clouds (full lengths), point_reduction='mean', batch_reduction='mean', norm=2
    N, P1, D = x.shape
    P2 = y.shape[1]
    x2 = jnp.sum(x * x, axis=-1)              # (N, P1)
    y2 = jnp.sum(y * y, axis=-1)              # (N, P2)
    d = x2[:, :, None] + y2[:, None, :] - 2.0 * jnp.einsum('npd,nqd->npq', x, y)  # (N, P1, P2) squared L2
    cham_x = jnp.min(d, axis=2)               # (N, P1) dist to nearest y
    idx_x = jnp.argmin(d, axis=2)             # (N, P1)
    cham_y = jnp.min(d, axis=1)               # (N, P2) dist to nearest x
    idx_y = jnp.argmin(d, axis=1)             # (N, P2)
    # knn_gather of nearest-neighbor normals
    x_normals_near = jnp.take_along_axis(y_normals, idx_x[..., None], axis=1)  # (N, P1, D)
    y_normals_near = jnp.take_along_axis(x_normals, idx_y[..., None], axis=1)  # (N, P2, D)
    cham_norm_x = 1.0 - jnp.abs(_cosine_similarity(x_normals, x_normals_near))
    cham_norm_y = 1.0 - jnp.abs(_cosine_similarity(y_normals, y_normals_near))
    # point reduction: mean over points
    cham_x = jnp.sum(cham_x, axis=1) / P1
    cham_y = jnp.sum(cham_y, axis=1) / P2
    cham_norm_x = jnp.sum(cham_norm_x, axis=1) / P1
    cham_norm_y = jnp.sum(cham_norm_y, axis=1) / P2
    # batch reduction: mean
    cham_dist = (jnp.sum(cham_x) + jnp.sum(cham_y)) / N
    cham_normals = (jnp.sum(cham_norm_x) + jnp.sum(cham_norm_y)) / N
    return (cham_dist, cham_normals)

if __name__ == "__main__":
    import jax
    _d = setup_inputs()
    print(jax.jit(kernel)(*tuple(_d.values())))

</pallas_src>

<mosaic_0001>
#map = affine_map<(d0, d1) -> (0, 0)>
module attributes {stable_mosaic.version = 14 : i64} {
  func.func @_sc_body(%arg0: i32, %arg1: i32, %arg2: memref<8x6144xf32, #tpu.memory_space<hbm>>, %arg3: memref<8x6144xf32, #tpu.memory_space<hbm>>, %arg4: memref<8x2048xi32, #tpu.memory_space<hbm>>, %arg5: memref<8x2048xi32, #tpu.memory_space<hbm>>, %arg6: memref<32x16xf32, #tpu.memory_space<hbm>>, %arg7: memref<6144xf32, #tpu.memory_space<vmem>>, %arg8: memref<6144xf32, #tpu.memory_space<vmem>>, %arg9: memref<512xi32, #tpu.memory_space<vmem>>, %arg10: memref<512xi32, #tpu.memory_space<vmem>>, %arg11: memref<16xf32, #tpu.memory_space<vmem>>) attributes {dimension_semantics = [#tpu.dimension_semantics<core_parallel>, #tpu.dimension_semantics<subcore_parallel>], iteration_bounds = array<i64: 2, 16>, scalar_prefetch = 0 : i64, scratch_operands = 5 : i64, tpu.core_type = #tpu.core_type<sc_vector_subcore>, window_params = [{transform_indices = #map}, {transform_indices = #map}, {transform_indices = #map}, {transform_indices = #map}, {transform_indices = #map}]} {
    %mul3A = arith.constant 2 : i32
    %mul3A_0 = arith.muli %arg1, %mul3A : i32
    %add3A = arith.addi %mul3A_0, %arg0 : i32
    %jit3A = arith.constant 4 : i32
    %div3A = arith.divsi %add3A, %jit3A : i32
    %sign3A = arith.constant 0 : i32
    %sign3A_1 = arith.cmpi sgt, %add3A, %sign3A : i32
    %sign3A_2 = arith.extui %sign3A_1 : i1 to i32
    %sign3A_3 = arith.constant 0 : i32
    %sign3A_4 = arith.cmpi slt, %add3A, %sign3A_3 : i32
    %sign3A_5 = arith.extui %sign3A_4 : i1 to i32
    %sign3A_6 = arith.subi %sign3A_2, %sign3A_5 : i32
    %sign3A_7 = arith.constant 0 : i32
    %sign3A_8 = arith.cmpi sgt, %jit3A, %sign3A_7 : i32
    %sign3A_9 = arith.extui %sign3A_8 : i1 to i32
    %sign3A_10 = arith.constant 0 : i32
    %sign3A_11 = arith.cmpi slt, %jit3A, %sign3A_10 : i32
    %sign3A_12 = arith.extui %sign3A_11 : i1 to i32
    %sign3A_13 = arith.subi %sign3A_9, %sign3A_12 : i32
    %ne3A = arith.cmpi ne, %sign3A_6, %sign3A_13 : i32
    %rem3A = arith.remsi %add3A, %jit3A : i32
    %ne3A_14 = arith.constant 0 : i32
    %ne3A_15 = arith.cmpi ne, %rem3A, %ne3A_14 : i32
    %and3A = arith.andi %ne3A, %ne3A_15 : i1
    %sub3A = arith.constant 1 : i32
    %sub3A_16 = arith.subi %div3A, %sub3A : i32
    %select_n3A = arith.select %and3A, %sub3A_16, %div3A : i32
    %jit3A_17 = arith.constant 4 : i32
    %eq3A = arith.constant 0 : i32
    %eq3A_18 = arith.cmpi eq, %jit3A_17, %eq3A : i32
    %jit3A_19 = arith.constant 1 : i32
    %select_n3A_20 = arith.select %eq3A_18, %jit3A_19, %jit3A_17 : i32
    %rem3A_21 = arith.remsi %add3A, %select_n3A_20 : i32
    %ne3A_22 = arith.constant 0 : i32
    %ne3A_23 = arith.cmpi ne, %rem3A_21, %ne3A_22 : i32
    %lt3A = arith.constant 0 : i32
    %lt3A_24 = arith.cmpi slt, %rem3A_21, %lt3A : i32
    %lt3A_25 = arith.constant 0 : i32
    %lt3A_26 = arith.cmpi slt, %select_n3A_20, %lt3A_25 : i32
    %ne3A_27 = arith.xori %lt3A_24, %lt3A_26 : i1
    %and3A_28 = arith.andi %ne3A_27, %ne3A_23 : i1
    %add3A_29 = arith.addi %rem3A_21, %select_n3A_20 : i32
    %select_n3A_30 = arith.select %and3A_28, %add3A_29, %rem3A_21 : i32
    %mul3A_31 = arith.constant 512 : i32
    %mul3A_32 = arith.muli %select_n3A_30, %mul3A_31 : i32
    "tpu.region"() ({
      %run_scoped3A = tpu.sem_alloc : memref<!tpu.dma_semaphore, #tpu.memory_space<semaphore_mem>>
      %dma_start3A = arith.constant 0 : i32
      %dma_start3A_42 = tpu.memref_slice %arg2[%select_n3A, %dma_start3A] : memref<8x6144xf32, #tpu.memory_space<hbm>> -> memref<1x6144xf32, #tpu.memory_space<hbm>>
      %dma_start3A_43 = tpu.memref_squeeze %dma_start3A_42 : memref<1x6144xf32, #tpu.memory_space<hbm>> -> memref<6144xf32, #tpu.memory_space<hbm>>
      %dma_start3A_44 = arith.constant 0 : i32
      %dma_start3A_45 = tpu.memref_slice %arg2[%select_n3A, %dma_start3A_44] : memref<8x6144xf32, #tpu.memory_space<hbm>> -> memref<1x6144xf32, #tpu.memory_space<hbm>>
      %dma_start3A_46 = tpu.memref_squeeze %dma_start3A_45 : memref<1x6144xf32, #tpu.memory_space<hbm>> -> memref<6144xf32, #tpu.memory_space<hbm>>
      tpu.enqueue_dma source(%dma_start3A_46 : memref<6144xf32, #tpu.memory_space<hbm>>) target(%arg7 : memref<6144xf32, #tpu.memory_space<vmem>>) target_semaphore(%run_scoped3A : memref<!tpu.dma_semaphore, #tpu.memory_space<semaphore_mem>>)
      %dma_wait3A = arith.constant 0 : i32
      %dma_wait3A_47 = tpu.memref_slice %arg2[%select_n3A, %dma_wait3A] : memref<8x6144xf32, #tpu.memory_space<hbm>> -> memref<1x6144xf32, #tpu.memory_space<hbm>>
      %dma_wait3A_48 = tpu.memref_squeeze %dma_wait3A_47 : memref<1x6144xf32, #tpu.memory_space<hbm>> -> memref<6144xf32, #tpu.memory_space<hbm>>
      %dma_wait3A_49 = arith.constant 0 : i32
      %dma_wait3A_50 = tpu.memref_slice %arg2[%select_n3A, %dma_wait3A_49] : memref<8x6144xf32, #tpu.memory_space<hbm>> -> memref<1x6144xf32, #tpu.memory_space<hbm>>
      %dma_wait3A_51 = tpu.memref_squeeze %dma_wait3A_50 : memref<1x6144xf32, #tpu.memory_space<hbm>> -> memref<6144xf32, #tpu.memory_space<hbm>>
      tpu.wait_dma2 semaphore(%run_scoped3A : memref<!tpu.dma_semaphore, #tpu.memory_space<semaphore_mem>>) src(%dma_wait3A_51 : memref<6144xf32, #tpu.memory_space<hbm>>) dst(%arg7 : memref<6144xf32, #tpu.memory_space<vmem>>)
      tpu.yield
    }) : () -> ()
    "tpu.region"() ({
      %run_scoped3A = tpu.sem_alloc : memref<!tpu.dma_semaphore, #tpu.memory_space<semaphore_mem>>
      %dma_start3A = arith.constant 0 : i32
      %dma_start3A_42 = tpu.memref_slice %arg3[%select_n3A, %dma_start3A] : memref<8x6144xf32, #tpu.memory_space<hbm>> -> memref<1x6144xf32, #tpu.memory_space<hbm>>
      %dma_start3A_43 = tpu.memref_squeeze %dma_start3A_42 : memref<1x6144xf32, #tpu.memory_space<hbm>> -> memref<6144xf32, #tpu.memory_space<hbm>>
      %dma_start3A_44 = arith.constant 0 : i32
      %dma_start3A_45 = tpu.memref_slice %arg3[%select_n3A, %dma_start3A_44] : memref<8x6144xf32, #tpu.memory_space<hbm>> -> memref<1x6144xf32, #tpu.memory_space<hbm>>
      %dma_start3A_46 = tpu.memref_squeeze %dma_start3A_45 : memref<1x6144xf32, #tpu.memory_space<hbm>> -> memref<6144xf32, #tpu.memory_space<hbm>>
      tpu.enqueue_dma source(%dma_start3A_46 : memref<6144xf32, #tpu.memory_space<hbm>>) target(%arg8 : memref<6144xf32, #tpu.memory_space<vmem>>) target_semaphore(%run_scoped3A : memref<!tpu.dma_semaphore, #tpu.memory_space<semaphore_mem>>)
      %dma_wait3A = arith.constant 0 : i32
      %dma_wait3A_47 = tpu.memref_slice %arg3[%select_n3A, %dma_wait3A] : memref<8x6144xf32, #tpu.memory_space<hbm>> -> memref<1x6144xf32, #tpu.memory_space<hbm>>
      %dma_wait3A_48 = tpu.memref_squeeze %dma_wait3A_47 : memref<1x6144xf32, #tpu.memory_space<hbm>> -> memref<6144xf32, #tpu.memory_space<hbm>>
      %dma_wait3A_49 = arith.constant 0 : i32
      %dma_wait3A_50 = tpu.memref_slice %arg3[%select_n3A, %dma_wait3A_49] : memref<8x6144xf32, #tpu.memory_space<hbm>> -> memref<1x6144xf32, #tpu.memory_space<hbm>>
      %dma_wait3A_51 = tpu.memref_squeeze %dma_wait3A_50 : memref<1x6144xf32, #tpu.memory_space<hbm>> -> memref<6144xf32, #tpu.memory_space<hbm>>
      tpu.wait_dma2 semaphore(%run_scoped3A : memref<!tpu.dma_semaphore, #tpu.memory_space<semaphore_mem>>) src(%dma_wait3A_51 : memref<6144xf32, #tpu.memory_space<hbm>>) dst(%arg8 : memref<6144xf32, #tpu.memory_space<vmem>>)
      tpu.yield
    }) : () -> ()
    "tpu.region"() ({
      %run_scoped3A = tpu.sem_alloc : memref<!tpu.dma_semaphore, #tpu.memory_space<semaphore_mem>>
      %dma_start3A = tpu.memref_slice %arg4[%select_n3A, %mul3A_32] : memref<8x2048xi32, #tpu.memory_space<hbm>> -> memref<1x512xi32, #tpu.memory_space<hbm>>
      %dma_start3A_42 = tpu.memref_squeeze %dma_start3A : memref<1x512xi32, #tpu.memory_space<hbm>> -> memref<512xi32, #tpu.memory_space<hbm>>
      %dma_start3A_43 = tpu.memref_slice %arg4[%select_n3A, %mul3A_32] : memref<8x2048xi32, #tpu.memory_space<hbm>> -> memref<1x512xi32, #tpu.memory_space<hbm>>
      %dma_start3A_44 = tpu.memref_squeeze %dma_start3A_43 : memref<1x512xi32, #tpu.memory_space<hbm>> -> memref<512xi32, #tpu.memory_space<hbm>>
      tpu.enqueue_dma source(%dma_start3A_44 : memref<512xi32, #tpu.memory_space<hbm>>) target(%arg9 : memref<512xi32, #tpu.memory_space<vmem>>) target_semaphore(%run_scoped3A : memref<!tpu.dma_semaphore, #tpu.memory_space<semaphore_mem>>)
      %dma_wait3A = tpu.memref_slice %arg4[%select_n3A, %mul3A_32] : memref<8x2048xi32, #tpu.memory_space<hbm>> -> memref<1x512xi32, #tpu.memory_space<hbm>>
      %dma_wait3A_45 = tpu.memref_squeeze %dma_wait3A : memref<1x512xi32, #tpu.memory_space<hbm>> -> memref<512xi32, #tpu.memory_space<hbm>>
      %dma_wait3A_46 = tpu.memref_slice %arg4[%select_n3A, %mul3A_32] : memref<8x2048xi32, #tpu.memory_space<hbm>> -> memref<1x512xi32, #tpu.memory_space<hbm>>
      %dma_wait3A_47 = tpu.memref_squeeze %dma_wait3A_46 : memref<1x512xi32, #tpu.memory_space<hbm>> -> memref<512xi32, #tpu.memory_space<hbm>>
      tpu.wait_dma2 semaphore(%run_scoped3A : memref<!tpu.dma_semaphore, #tpu.memory_space<semaphore_mem>>) src(%dma_wait3A_47 : memref<512xi32, #tpu.memory_space<hbm>>) dst(%arg9 : memref<512xi32, #tpu.memory_space<vmem>>)
      tpu.yield
    }) : () -> ()
    "tpu.region"() ({
      %run_scoped3A = tpu.sem_alloc : memref<!tpu.dma_semaphore, #tpu.memory_space<semaphore_mem>>
      %dma_start3A = tpu.memref_slice %arg5[%select_n3A, %mul3A_32] : memref<8x2048xi32, #tpu.memory_space<hbm>> -> memref<1x512xi32, #tpu.memory_space<hbm>>
      %dma_start3A_42 = tpu.memref_squeeze %dma_start3A : memref<1x512xi32, #tpu.memory_space<hbm>> -> memref<512xi32, #tpu.memory_space<hbm>>
      %dma_start3A_43 = tpu.memref_slice %arg5[%select_n3A, %mul3A_32] : memref<8x2048xi32, #tpu.memory_space<hbm>> -> memref<1x512xi32, #tpu.memory_space<hbm>>
      %dma_start3A_44 = tpu.memref_squeeze %dma_start3A_43 : memref<1x512xi32, #tpu.memory_space<hbm>> -> memref<512xi32, #tpu.memory_space<hbm>>
      tpu.enqueue_dma source(%dma_start3A_44 : memref<512xi32, #tpu.memory_space<hbm>>) target(%arg10 : memref<512xi32, #tpu.memory_space<vmem>>) target_semaphore(%run_scoped3A : memref<!tpu.dma_semaphore, #tpu.memory_space<semaphore_mem>>)
      %dma_wait3A = tpu.memref_slice %arg5[%select_n3A, %mul3A_32] : memref<8x2048xi32, #tpu.memory_space<hbm>> -> memref<1x512xi32, #tpu.memory_space<hbm>>
      %dma_wait3A_45 = tpu.memref_squeeze %dma_wait3A : memref<1x512xi32, #tpu.memory_space<hbm>> -> memref<512xi32, #tpu.memory_space<hbm>>
      %dma_wait3A_46 = tpu.memref_slice %arg5[%select_n3A, %mul3A_32] : memref<8x2048xi32, #tpu.memory_space<hbm>> -> memref<1x512xi32, #tpu.memory_space<hbm>>
      %dma_wait3A_47 = tpu.memref_squeeze %dma_wait3A_46 : memref<1x512xi32, #tpu.memory_space<hbm>> -> memref<512xi32, #tpu.memory_space<hbm>>
      tpu.wait_dma2 semaphore(%run_scoped3A : memref<!tpu.dma_semaphore, #tpu.memory_space<semaphore_mem>>) src(%dma_wait3A_47 : memref<512xi32, #tpu.memory_space<hbm>>) dst(%arg10 : memref<512xi32, #tpu.memory_space<vmem>>)
      tpu.yield
    }) : () -> ()
    %broadcast_in_dim3A = arith.constant 2047 : i32
    %broadcast_in_dim3A_33 = vector.broadcast %broadcast_in_dim3A : i32 to vector<16xi32>
    %broadcast_in_dim3A_34 = arith.constant 0.000000e+00 : f32
    %broadcast_in_dim3A_35 = vector.broadcast %broadcast_in_dim3A_34 : f32 to vector<16xf32>
    %scan3A = arith.constant 0 : i32
    %scan3A_36 = arith.constant 32 : i32
    %scan3A_37 = arith.addi %scan3A, %scan3A_36 : i32
    %scan3A_38 = arith.constant 1 : i32
    %scan3A_39 = scf.for %scan3A_42 = %scan3A to %scan3A_37 step %scan3A_38 iter_args(%scan3A_43 = %broadcast_in_dim3A_35) -> (vector<16xf32>)  : i32 {
      %mul3A_44 = arith.constant 16 : i32
      %mul3A_45 = arith.muli %scan3A_42, %mul3A_44 : i32
      %get3A = arith.index_cast %mul3A_45 : i32 to index
      %get3A_46 = tpu.vector_load %arg9[%get3A] {strides = array<i32>} : memref<512xi32, #tpu.memory_space<vmem>>, vector<16xi32>,
      %min3A = arith.minsi %get3A_46, %broadcast_in_dim3A_33 : vector<16xi32>
      %mul3A_47 = arith.constant 16 : i32
      %mul3A_48 = arith.muli %scan3A_42, %mul3A_47 : i32
      %get3A_49 = arith.index_cast %mul3A_48 : i32 to index
      %get3A_50 = tpu.vector_load %arg10[%get3A_49] {strides = array<i32>} : memref<512xi32, #tpu.memory_space<vmem>>, vector<16xi32>,
      %min3A_51 = arith.minsi %get3A_50, %broadcast_in_dim3A_33 : vector<16xi32>
      %broadcast_in_dim3A_52 = arith.constant 0.000000e+00 : f32
      %broadcast_in_dim3A_53 = vector.broadcast %broadcast_in_dim3A_52 : f32 to vector<16xf32>
      %broadcast_in_dim3A_54 = arith.constant 0.000000e+00 : f32
      %broadcast_in_dim3A_55 = vector.broadcast %broadcast_in_dim3A_54 : f32 to vector<16xf32>
      %add3A_56 = arith.constant 0 : i32
      %add3A_57 = vector.broadcast %add3A_56 : i32 to vector<16xi32>
      %add3A_58 = arith.addi %min3A, %add3A_57 : vector<16xi32>
      %gather3A = tpu.vector_load_idx %arg8[%add3A_58] : memref<6144xf32, #tpu.memory_space<vmem>>[vector<16xi32>], vector<16xf32>,
      %add3A_59 = arith.constant 0 : i32
      %add3A_60 = vector.broadcast %add3A_59 : i32 to vector<16xi32>
      %add3A_61 = arith.addi %min3A_51, %add3A_60 : vector<16xi32>
      %gather3A_62 = tpu.vector_load_idx %arg7[%add3A_61] : memref<6144xf32, #tpu.memory_space<vmem>>[vector<16xi32>], vector<16xf32>,
      %add3A_63 = arith.constant 0 : i32
      %add3A_64 = arith.addi %add3A_63, %mul3A_32 : i32
      %mul3A_65 = arith.constant 16 : i32
      %mul3A_66 = arith.muli %scan3A_42, %mul3A_65 : i32
      %add3A_67 = arith.addi %add3A_64, %mul3A_66 : i32
      %get3A_68 = arith.index_cast %add3A_67 : i32 to index
      %get3A_69 = tpu.vector_load %arg7[%get3A_68] {strides = array<i32>} : memref<6144xf32, #tpu.memory_space<vmem>>, vector<16xf32>,
      %add3A_70 = arith.constant 0 : i32
      %add3A_71 = arith.addi %add3A_70, %mul3A_32 : i32
      %mul3A_72 = arith.constant 16 : i32
      %mul3A_73 = arith.muli %scan3A_42, %mul3A_72 : i32
      %add3A_74 = arith.addi %add3A_71, %mul3A_73 : i32
      %get3A_75 = arith.index_cast %add3A_74 : i32 to index
      %get3A_76 = tpu.vector_load %arg8[%get3A_75] {strides = array<i32>} : memref<6144xf32, #tpu.memory_space<vmem>>, vector<16xf32>,
      %mul3A_77 = arith.mulf %get3A_69, %gather3A : vector<16xf32>
      %add3A_78 = arith.addf %broadcast_in_dim3A_53, %mul3A_77 : vector<16xf32>
      %mul3A_79 = arith.mulf %get3A_76, %gather3A_62 : vector<16xf32>
      %add3A_80 = arith.addf %broadcast_in_dim3A_55, %mul3A_79 : vector<16xf32>
      %add3A_81 = arith.constant 2048 : i32
      %add3A_82 = vector.broadcast %add3A_81 : i32 to vector<16xi32>
      %add3A_83 = arith.addi %min3A, %add3A_82 : vector<16xi32>
      %gather3A_84 = tpu.vector_load_idx %arg8[%add3A_83] : memref<6144xf32, #tpu.memory_space<vmem>>[vector<16xi32>], vector<16xf32>,
      %add3A_85 = arith.constant 2048 : i32
      %add3A_86 = vector.broadcast %add3A_85 : i32 to vector<16xi32>
      %add3A_87 = arith.addi %min3A_51, %add3A_86 : vector<16xi32>
      %gather3A_88 = tpu.vector_load_idx %arg7[%add3A_87] : memref<6144xf32, #tpu.memory_space<vmem>>[vector<16xi32>], vector<16xf32>,
      %add3A_89 = arith.constant 2048 : i32
      %add3A_90 = arith.addi %add3A_89, %mul3A_32 : i32
      %mul3A_91 = arith.constant 16 : i32
      %mul3A_92 = arith.muli %scan3A_42, %mul3A_91 : i32
      %add3A_93 = arith.addi %add3A_90, %mul3A_92 : i32
      %get3A_94 = arith.index_cast %add3A_93 : i32 to index
      %get3A_95 = tpu.vector_load %arg7[%get3A_94] {strides = array<i32>} : memref<6144xf32, #tpu.memory_space<vmem>>, vector<16xf32>,
      %add3A_96 = arith.constant 2048 : i32
      %add3A_97 = arith.addi %add3A_96, %mul3A_32 : i32
      %mul3A_98 = arith.constant 16 : i32
      %mul3A_99 = arith.muli %scan3A_42, %mul3A_98 : i32
      %add3A_100 = arith.addi %add3A_97, %mul3A_99 : i32
      %get3A_101 = arith.index_cast %add3A_100 : i32 to index
      %get3A_102 = tpu.vector_load %arg8[%get3A_101] {strides = array<i32>} : memref<6144xf32, #tpu.memory_space<vmem>>, vector<16xf32>,
      %mul3A_103 = arith.mulf %get3A_95, %gather3A_84 : vector<16xf32>
      %add3A_104 = arith.addf %add3A_78, %mul3A_103 : vector<16xf32>
      %mul3A_105 = arith.mulf %get3A_102, %gather3A_88 : vector<16xf32>
      %add3A_106 = arith.addf %add3A_80, %mul3A_105 : vector<16xf32>
      %add3A_107 = arith.constant 4096 : i32
      %add3A_108 = vector.broadcast %add3A_107 : i32 to vector<16xi32>
      %add3A_109 = arith.addi %min3A, %add3A_108 : vector<16xi32>
      %gather3A_110 = tpu.vector_load_idx %arg8[%add3A_109] : memref<6144xf32, #tpu.memory_space<vmem>>[vector<16xi32>], vector<16xf32>,
      %add3A_111 = arith.constant 4096 : i32
      %add3A_112 = vector.broadcast %add3A_111 : i32 to vector<16xi32>
      %add3A_113 = arith.addi %min3A_51, %add3A_112 : vector<16xi32>
      %gather3A_114 = tpu.vector_load_idx %arg7[%add3A_113] : memref<6144xf32, #tpu.memory_space<vmem>>[vector<16xi32>], vector<16xf32>,
      %add3A_115 = arith.constant 4096 : i32
      %add3A_116 = arith.addi %add3A_115, %mul3A_32 : i32
      %mul3A_117 = arith.constant 16 : i32
      %mul3A_118 = arith.muli %scan3A_42, %mul3A_117 : i32
      %add3A_119 = arith.addi %add3A_116, %mul3A_118 : i32
      %get3A_120 = arith.index_cast %add3A_119 : i32 to index
      %get3A_121 = tpu.vector_load %arg7[%get3A_120] {strides = array<i32>} : memref<6144xf32, #tpu.memory_space<vmem>>, vector<16xf32>,
      %add3A_122 = arith.constant 4096 : i32
      %add3A_123 = arith.addi %add3A_122, %mul3A_32 : i32
      %mul3A_124 = arith.constant 16 : i32
      %mul3A_125 = arith.muli %scan3A_42, %mul3A_124 : i32
      %add3A_126 = arith.addi %add3A_123, %mul3A_125 : i32
      %get3A_127 = arith.index_cast %add3A_126 : i32 to index
      %get3A_128 = tpu.vector_load %arg8[%get3A_127] {strides = array<i32>} : memref<6144xf32, #tpu.memory_space<vmem>>, vector<16xf32>,
      %mul3A_129 = arith.mulf %get3A_121, %gather3A_110 : vector<16xf32>
      %add3A_130 = arith.addf %add3A_104, %mul3A_129 : vector<16xf32>
      %mul3A_131 = arith.mulf %get3A_128, %gather3A_114 : vector<16xf32>
      %add3A_132 = arith.addf %add3A_106, %mul3A_131 : vector<16xf32>
      %abs3A = math.absf %add3A_130 : vector<16xf32>
      %sub3A_133 = arith.constant 2.000000e+00 : f32
      %sub3A_134 = vector.broadcast %sub3A_133 : f32 to vector<16xf32>
      %sub3A_135 = arith.subf %sub3A_134, %abs3A : vector<16xf32>
      %abs3A_136 = math.absf %add3A_132 : vector<16xf32>
      %sub3A_137 = arith.subf %sub3A_135, %abs3A_136 : vector<16xf32>
      %add3A_138 = arith.addf %scan3A_43, %sub3A_137 : vector<16xf32>
      scf.yield %add3A_138 : vector<16xf32>
    }
    %scan3A_40 = arith.constant 32 : i32
    %swap3A = arith.constant 0 : index
    %swap3A_41 = tpu.vector_load %arg11[%swap3A] {strides = array<i32>} : memref<16xf32, #tpu.memory_space<vmem>>, vector<16xf32>,
    tpu.vector_store %arg11[%swap3A], %scan3A_39 {strides = array<i32>} : memref<16xf32, #tpu.memory_space<vmem>>, vector<16xf32>,
    "tpu.region"() ({
      %run_scoped3A = tpu.sem_alloc : memref<!tpu.dma_semaphore, #tpu.memory_space<semaphore_mem>>
      %dma_start3A = arith.constant 0 : i32
      %dma_start3A_42 = tpu.memref_slice %arg6[%add3A, %dma_start3A] : memref<32x16xf32, #tpu.memory_space<hbm>> -> memref<1x16xf32, #tpu.memory_space<hbm>>
      %dma_start3A_43 = tpu.memref_squeeze %dma_start3A_42 : memref<1x16xf32, #tpu.memory_space<hbm>> -> memref<16xf32, #tpu.memory_space<hbm>>
      %dma_start3A_44 = arith.constant 0 : i32
      %dma_start3A_45 = tpu.memref_slice %arg6[%add3A, %dma_start3A_44] : memref<32x16xf32, #tpu.memory_space<hbm>> -> memref<1x16xf32, #tpu.memory_space<hbm>>
      %dma_start3A_46 = tpu.memref_squeeze %dma_start3A_45 : memref<1x16xf32, #tpu.memory_space<hbm>> -> memref<16xf32, #tpu.memory_space<hbm>>
      tpu.enqueue_dma source(%arg11 : memref<16xf32, #tpu.memory_space<vmem>>) target(%dma_start3A_46 : memref<16xf32, #tpu.memory_space<hbm>>) target_semaphore(%run_scoped3A : memref<!tpu.dma_semaphore, #tpu.memory_space<semaphore_mem>>)
      %dma_wait3A = arith.constant 0 : i32
      %dma_wait3A_47 = tpu.memref_slice %arg6[%add3A, %dma_wait3A] : memref<32x16xf32, #tpu.memory_space<hbm>> -> memref<1x16xf32, #tpu.memory_space<hbm>>
      %dma_wait3A_48 = tpu.memref_squeeze %dma_wait3A_47 : memref<1x16xf32, #tpu.memory_space<hbm>> -> memref<16xf32, #tpu.memory_space<hbm>>
      %dma_wait3A_49 = arith.constant 0 : i32
      %dma_wait3A_50 = tpu.memref_slice %arg6[%add3A, %dma_wait3A_49] : memref<32x16xf32, #tpu.memory_space<hbm>> -> memref<1x16xf32, #tpu.memory_space<hbm>>
      %dma_wait3A_51 = tpu.memref_squeeze %dma_wait3A_50 : memref<1x16xf32, #tpu.memory_space<hbm>> -> memref<16xf32, #tpu.memory_space<hbm>>
      tpu.wait_dma2 semaphore(%run_scoped3A : memref<!tpu.dma_semaphore, #tpu.memory_space<semaphore_mem>>) src(%arg11 : memref<16xf32, #tpu.memory_space<vmem>>) dst(%dma_wait3A_51 : memref<16xf32, #tpu.memory_space<hbm>>)
      tpu.yield
    }) : () -> ()
    return
  }
}

module attributes {stable_mosaic.version = 14 : i64} {
  func.func @_tc_body(%arg0: i32, %arg1: memref<1x2048x3xf32, #tpu.memory_space<vmem>>, %arg2: memref<1x2048x3xf32, #tpu.memory_space<vmem>>, %arg3: memref<1x3x2048xf32, #tpu.memory_space<vmem>>, %arg4: memref<1x3x2048xf32, #tpu.memory_space<vmem>>, %arg5: memref<1x1xf32, #tpu.memory_space<vmem>>, %arg6: memref<1x2048x1xi32, #tpu.memory_space<vmem>>, %arg7: memref<1x1x2048xi32, #tpu.memory_space<vmem>>, %arg8: memref<1x3x2048xf32, #tpu.memory_space<vmem>>, %arg9: memref<1x3x2048xf32, #tpu.memory_space<vmem>>) attributes {dimension_semantics = [#tpu.dimension_semantics<arbitrary>], iteration_bounds = array<i64: 8>, scalar_prefetch = 0 : i64, scratch_operands = 0 : i64, tpu.core_type = #tpu.core_type<tc>, window_params = [{transform_indices = @transform_0, window_bounds = array<i64: 1, 2048, 3>}, {transform_indices = @transform_1, window_bounds = array<i64: 1, 2048, 3>}, {transform_indices = @transform_2, window_bounds = array<i64: 1, 3, 2048>}, {transform_indices = @transform_3, window_bounds = array<i64: 1, 3, 2048>}, {pipeline_mode = #tpu.pipeline_mode<synchronous>, transform_indices = @transform_4, window_bounds = array<i64: 1, 1>}, {transform_indices = @transform_5, window_bounds = array<i64: 1, 2048, 1>}, {transform_indices = @transform_6, window_bounds = array<i64: 1, 1, 2048>}, {transform_indices = @transform_7, window_bounds = array<i64: 1, 3, 2048>}, {transform_indices = @transform_8, window_bounds = array<i64: 1, 3, 2048>}]} {
    %get3A = arith.constant 0 : index
    %get3A_0 = arith.constant 0 : index
    %get3A_1 = arith.constant 0 : index
    %get3A_2 = vector.load %arg1[%get3A, %get3A_0, %get3A_1] : memref<1x2048x3xf32, #tpu.memory_space<vmem>>, vector<1x2048x3xf32>
    %get3A_3 = vector.shape_cast %get3A_2 : vector<1x2048x3xf32> to vector<2048x3xf32>
    %mul3A = arith.mulf %get3A_3, %get3A_3 : vector<2048x3xf32>
    %reduce_sum3A = arith.constant dense<0.000000e+00> : vector<2048xf32>
    %reduce_sum3A_4 = vector.multi_reduction <add>, %mul3A, %reduce_sum3A [1] : vector<2048x3xf32> to vector<2048xf32>
    %broadcast_in_dim3A = vector.shape_cast %reduce_sum3A_4 : vector<2048xf32> to vector<2048x1xf32>
    %get3A_5 = arith.constant 0 : index
    %get3A_6 = arith.constant 0 : index
    %get3A_7 = arith.constant 0 : index
    %get3A_8 = vector.load %arg3[%get3A_5, %get3A_6, %get3A_7] : memref<1x3x2048xf32, #tpu.memory_space<vmem>>, vector<1x3x2048xf32>
    %get3A_9 = vector.shape_cast %get3A_8 : vector<1x3x2048xf32> to vector<3x2048xf32>
    %get3A_10 = arith.constant 0 : index
    %get3A_11 = arith.constant 0 : index
    %get3A_12 = arith.constant 0 : index
    %get3A_13 = vector.load %arg4[%get3A_10, %get3A_11, %get3A_12] : memref<1x3x2048xf32, #tpu.memory_space<vmem>>, vector<1x3x2048xf32>
    %get3A_14 = vector.shape_cast %get3A_13 : vector<1x3x2048xf32> to vector<3x2048xf32>
    %mul3A_15 = arith.mulf %get3A_9, %get3A_9 : vector<3x2048xf32>
    %reduce_sum3A_16 = arith.constant dense<0.000000e+00> : vector<2048xf32>
    %reduce_sum3A_17 = vector.multi_reduction <add>, %mul3A_15, %reduce_sum3A_16 [0] : vector<3x2048xf32> to vector<2048xf32>
    %broadcast_in_dim3A_18 = vector.shape_cast %reduce_sum3A_17 : vector<2048xf32> to vector<1x2048xf32>
    %sqrt3A = math.sqrt %broadcast_in_dim3A_18 : vector<1x2048xf32>
    %max3A = arith.constant 9.99999997E-7 : f32
    %max3A_19 = vector.broadcast %max3A : f32 to vector<1x2048xf32>
    %max3A_20 = arith.maximumf %sqrt3A, %max3A_19 : vector<1x2048xf32>
    %div3A = vector.broadcast %max3A_20 : vector<1x2048xf32> to vector<3x2048xf32>
    %div3A_21 = arith.divf %get3A_9, %div3A : vector<3x2048xf32>
    %swap3A = arith.constant 0 : index
    %swap3A_22 = arith.constant 0 : index
    %swap3A_23 = arith.constant 0 : index
    %swap3A_24 = vector.load %arg8[%swap3A, %swap3A_22, %swap3A_23] : memref<1x3x2048xf32, #tpu.memory_space<vmem>>, vector<1x3x2048xf32>
    %swap3A_25 = vector.shape_cast %swap3A_24 : vector<1x3x2048xf32> to vector<3x2048xf32>
    %swap3A_26 = vector.shape_cast %div3A_21 : vector<3x2048xf32> to vector<1x3x2048xf32>
    tpu.vector_store %arg8[%swap3A, %swap3A_22, %swap3A_23], %swap3A_26 {strides = array<i32>} : memref<1x3x2048xf32, #tpu.memory_space<vmem>>, vector<1x3x2048xf32>,
    %mul3A_27 = arith.mulf %get3A_14, %get3A_14 : vector<3x2048xf32>
    %reduce_sum3A_28 = arith.constant dense<0.000000e+00> : vector<2048xf32>
    %reduce_sum3A_29 = vector.multi_reduction <add>, %mul3A_27, %reduce_sum3A_28 [0] : vector<3x2048xf32> to vector<2048xf32>
    %broadcast_in_dim3A_30 = vector.shape_cast %reduce_sum3A_29 : vector<2048xf32> to vector<1x2048xf32>
    %sqrt3A_31 = math.sqrt %broadcast_in_dim3A_30 : vector<1x2048xf32>
    %max3A_32 = arith.constant 9.99999997E-7 : f32
    %max3A_33 = vector.broadcast %max3A_32 : f32 to vector<1x2048xf32>
    %max3A_34 = arith.maximumf %sqrt3A_31, %max3A_33 : vector<1x2048xf32>
    %div3A_35 = vector.broadcast %max3A_34 : vector<1x2048xf32> to vector<3x2048xf32>
    %div3A_36 = arith.divf %get3A_14, %div3A_35 : vector<3x2048xf32>
    %swap3A_37 = arith.constant 0 : index
    %swap3A_38 = arith.constant 0 : index
    %swap3A_39 = arith.constant 0 : index
    %swap3A_40 = vector.load %arg9[%swap3A_37, %swap3A_38, %swap3A_39] : memref<1x3x2048xf32, #tpu.memory_space<vmem>>, vector<1x3x2048xf32>
    %swap3A_41 = vector.shape_cast %swap3A_40 : vector<1x3x2048xf32> to vector<3x2048xf32>
    %swap3A_42 = vector.shape_cast %div3A_36 : vector<3x2048xf32> to vector<1x3x2048xf32>
    tpu.vector_store %arg9[%swap3A_37, %swap3A_38, %swap3A_39], %swap3A_42 {strides = array<i32>} : memref<1x3x2048xf32, #tpu.memory_space<vmem>>, vector<1x3x2048xf32>,
    %broadcast_in_dim3A_43 = arith.constant 3.400000e+38 : f32
    %broadcast_in_dim3A_44 = vector.broadcast %broadcast_in_dim3A_43 : f32 to vector<2048x1xf32>
    %broadcast_in_dim3A_45 = arith.constant 0 : i32
    %broadcast_in_dim3A_46 = vector.broadcast %broadcast_in_dim3A_45 : i32 to vector<2048x1xi32>
    %scan3A = arith.constant 1073741824 : i32
    %scan3A_47 = arith.constant 0.000000e+00 : f32
    %scan3A_48 = arith.constant 0 : i32
    %mul3A_49 = arith.constant 2048 : i32
    %mul3A_50 = arith.muli %scan3A_48, %mul3A_49 : i32
    %get3A_51 = arith.constant 0 : index
    %get3A_52 = arith.index_cast %mul3A_50 : i32 to index
    %get3A_53 = arith.constant 0 : index
    %get3A_54 = vector.load %arg2[%get3A_51, %get3A_52, %get3A_53] : memref<1x2048x3xf32, #tpu.memory_space<vmem>>, vector<1x2048x3xf32>
    %get3A_55 = vector.shape_cast %get3A_54 : vector<1x2048x3xf32> to vector<2048x3xf32>
    %mul3A_56 = arith.mulf %get3A_55, %get3A_55 : vector<2048x3xf32>
    %reduce_sum3A_57 = arith.constant dense<0.000000e+00> : vector<2048xf32>
    %reduce_sum3A_58 = vector.multi_reduction <add>, %mul3A_56, %reduce_sum3A_57 [1] : vector<2048x3xf32> to vector<2048xf32>
    %broadcast_in_dim3A_59 = vector.shape_cast %reduce_sum3A_58 : vector<2048xf32> to vector<1x2048xf32>
    %dot_general3A = arith.constant dense<0.000000e+00> : vector<2048x2048xf32>
    %dot_general3A_60 = tpu.matmul %get3A_3, %get3A_55, %dot_general3A {dimension_numbers = #tpu.dot_dimension_numbers<[1], [1], [0], [0], [0, 0, 1, 0], [], []>, transpose_lhs_hint = false} : vector<2048x3xf32>, vector<2048x3xf32>, vector<2048x2048xf32> -> vector<2048x2048xf32>
    %add3A = vector.broadcast %broadcast_in_dim3A : vector<2048x1xf32> to vector<2048x2048xf32>
    %add3A_61 = vector.broadcast %broadcast_in_dim3A_59 : vector<1x2048xf32> to vector<2048x2048xf32>
    %add3A_62 = arith.addf %add3A, %add3A_61 : vector<2048x2048xf32>
    %mul3A_63 = arith.constant 2.000000e+00 : f32
    %mul3A_64 = vector.broadcast %mul3A_63 : f32 to vector<2048x2048xf32>
    %mul3A_65 = arith.mulf %mul3A_64, %dot_general3A_60 : vector<2048x2048xf32>
    %sub3A = arith.subf %add3A_62, %mul3A_65 : vector<2048x2048xf32>
    %iota3A = tpu.iota {dimensions = array<i32: 0>} : vector<2048x2048xi32>
    %reduce_min3A = arith.constant dense<0x7F800000> : vector<2048xf32>
    %reduce_min3A_66 = vector.multi_reduction <minimumf>, %sub3A, %reduce_min3A [0] : vector<2048x2048xf32> to vector<2048xf32>
    %broadcast_in_dim3A_67 = vector.shape_cast %reduce_min3A_66 : vector<2048xf32> to vector<1x2048xf32>
    %eq3A = vector.broadcast %broadcast_in_dim3A_67 : vector<1x2048xf32> to vector<2048x2048xf32>
    %eq3A_68 = arith.cmpf oeq, %sub3A, %eq3A : vector<2048x2048xf32>
    %broadcast_in_dim3A_69 = vector.broadcast %scan3A : i32 to vector<2048x2048xi32>
    %select_n3A = arith.select %eq3A_68, %iota3A, %broadcast_in_dim3A_69 : vector<2048x2048xi1>, vector<2048x2048xi32>
    %reduce_min3A_70 = arith.constant dense<2147483647> : vector<2048xi32>
    %reduce_min3A_71 = vector.multi_reduction <minsi>, %select_n3A, %reduce_min3A_70 [0] : vector<2048x2048xi32> to vector<2048xi32>
    %broadcast_in_dim3A_72 = vector.shape_cast %reduce_min3A_71 : vector<2048xi32> to vector<1x2048xi32>
    %squeeze3A = vector.shape_cast %broadcast_in_dim3A_72 : vector<1x2048xi32> to vector<2048xi32>
    %mul3A_73 = arith.constant 2048 : i32
    %mul3A_74 = arith.muli %scan3A_48, %mul3A_73 : i32
    %swap3A_75 = arith.constant 0 : index
    %swap3A_76 = arith.constant 0 : index
    %swap3A_77 = arith.index_cast %mul3A_74 : i32 to index
    %swap3A_78 = vector.load %arg7[%swap3A_75, %swap3A_76, %swap3A_77] : memref<1x1x2048xi32, #tpu.memory_space<vmem>>, vector<1x1x2048xi32>
    %swap3A_79 = vector.shape_cast %swap3A_78 : vector<1x1x2048xi32> to vector<2048xi32>
    %swap3A_80 = vector.shape_cast %squeeze3A : vector<2048xi32> to vector<1x1x2048xi32>
    tpu.vector_store %arg7[%swap3A_75, %swap3A_76, %swap3A_77], %swap3A_80 {strides = array<i32>} : memref<1x1x2048xi32, #tpu.memory_space<vmem>>, vector<1x1x2048xi32>,
    %reduce_sum3A_81 = vector.shape_cast %broadcast_in_dim3A_67 : vector<1x2048xf32> to vector<1x1x2048xf32>
    %reduce_sum3A_82 = arith.constant dense<0.000000e+00> : vector<1xf32>
    %reduce_sum3A_83 = vector.multi_reduction <add>, %reduce_sum3A_81, %reduce_sum3A_82 [1, 2] : vector<1x1x2048xf32> to vector<1xf32>
    %reduce_sum3A_84 = vector.shape_cast %reduce_sum3A_83 : vector<1xf32> to vector<1x1x1xf32>
    %reduce_sum3A_85 = vector.extract %reduce_sum3A_84[0, 0, 0] : f32 from vector<1x1x1xf32>
    %add3A_86 = arith.addf %scan3A_47, %reduce_sum3A_85 : f32
    %iota3A_87 = tpu.iota {dimensions = array<i32: 1>} : vector<2048x2048xi32>
    %reduce_min3A_88 = arith.constant dense<0x7F800000> : vector<2048xf32>
    %reduce_min3A_89 = vector.multi_reduction <minimumf>, %sub3A, %reduce_min3A_88 [1] : vector<2048x2048xf32> to vector<2048xf32>
    %broadcast_in_dim3A_90 = vector.shape_cast %reduce_min3A_89 : vector<2048xf32> to vector<2048x1xf32>
    %eq3A_91 = vector.broadcast %broadcast_in_dim3A_90 : vector<2048x1xf32> to vector<2048x2048xf32>
    %eq3A_92 = arith.cmpf oeq, %sub3A, %eq3A_91 : vector<2048x2048xf32>
    %broadcast_in_dim3A_93 = vector.broadcast %scan3A : i32 to vector<2048x2048xi32>
    %select_n3A_94 = arith.select %eq3A_92, %iota3A_87, %broadcast_in_dim3A_93 : vector<2048x2048xi1>, vector<2048x2048xi32>
    %reduce_min3A_95 = arith.constant dense<2147483647> : vector<2048xi32>
    %reduce_min3A_96 = vector.multi_reduction <minsi>, %select_n3A_94, %reduce_min3A_95 [1] : vector<2048x2048xi32> to vector<2048xi32>
    %broadcast_in_dim3A_97 = vector.shape_cast %reduce_min3A_96 : vector<2048xi32> to vector<2048x1xi32>
    %mul3A_98 = arith.constant 2048 : i32
    %mul3A_99 = arith.muli %scan3A_48, %mul3A_98 : i32
    %add3A_100 = vector.broadcast %mul3A_99 : i32 to vector<2048x1xi32>
    %add3A_101 = arith.addi %broadcast_in_dim3A_97, %add3A_100 : vector<2048x1xi32>
    %lt3A = arith.cmpf olt, %broadcast_in_dim3A_90, %broadcast_in_dim3A_44 : vector<2048x1xf32>
    %select_n3A_102 = arith.select %lt3A, %broadcast_in_dim3A_90, %broadcast_in_dim3A_44 : vector<2048x1xi1>, vector<2048x1xf32>
    %select_n3A_103 = arith.select %lt3A, %add3A_101, %broadcast_in_dim3A_46 : vector<2048x1xi1>, vector<2048x1xi32>
    %scan3A_104 = arith.constant 1 : i32
    %swap3A_105 = arith.constant 0 : index
    %swap3A_106 = arith.constant 0 : index
    %swap3A_107 = arith.constant 0 : index
    %swap3A_108 = vector.load %arg6[%swap3A_105, %swap3A_106, %swap3A_107] : memref<1x2048x1xi32, #tpu.memory_space<vmem>>, vector<1x2048x1xi32>
    %swap3A_109 = vector.shape_cast %swap3A_108 : vector<1x2048x1xi32> to vector<2048x1xi32>
    %swap3A_110 = vector.shape_cast %select_n3A_103 : vector<2048x1xi32> to vector<1x2048x1xi32>
    tpu.vector_store %arg6[%swap3A_105, %swap3A_106, %swap3A_107], %swap3A_110 {strides = array<i32>} : memref<1x2048x1xi32, #tpu.memory_space<vmem>>, vector<1x2048x1xi32>,
    %reduce_sum3A_111 = vector.shape_cast %select_n3A_102 : vector<2048x1xf32> to vector<1x2048x1xf32>
    %reduce_sum3A_112 = arith.constant dense<0.000000e+00> : vector<1xf32>
    %reduce_sum3A_113 = vector.multi_reduction <add>, %reduce_sum3A_111, %reduce_sum3A_112 [1, 2] : vector<1x2048x1xf32> to vector<1xf32>
    %reduce_sum3A_114 = vector.shape_cast %reduce_sum3A_113 : vector<1xf32> to vector<1x1x1xf32>
    %reduce_sum3A_115 = vector.extract %reduce_sum3A_114[0, 0, 0] : f32 from vector<1x1x1xf32>
    %div3A_116 = arith.constant 2.048000e+03 : f32
    %div3A_117 = arith.divf %reduce_sum3A_115, %div3A_116 : f32
    %div3A_118 = arith.constant 2.048000e+03 : f32
    %div3A_119 = arith.divf %add3A_86, %div3A_118 : f32
    %add3A_120 = arith.addf %div3A_117, %div3A_119 : f32
    %div3A_121 = arith.constant 8.000000e+00 : f32
    %div3A_122 = arith.divf %add3A_120, %div3A_121 : f32
    %eq3A_123 = arith.constant 0 : i32
    %eq3A_124 = arith.cmpi eq, %arg0, %eq3A_123 : i32
    %convert_element_type3A = arith.extui %eq3A_124 : i1 to i32
    %cond3A = arith.constant 0 : i32
    %cond3A_125 = arith.cmpi ne, %convert_element_type3A, %cond3A : i32
    scf.if %cond3A_125 {
      %broadcast_in_dim3A_133 = arith.constant 0.000000e+00 : f32
      %broadcast_in_dim3A_134 = vector.broadcast %broadcast_in_dim3A_133 : f32 to vector<1x1xf32>
      %swap3A_135 = arith.constant 0 : index
      %swap3A_136 = arith.constant 0 : index
      %swap3A_137 = vector.load %arg5[%swap3A_135, %swap3A_136] : memref<1x1xf32, #tpu.memory_space<vmem>>, vector<1x1xf32>
      tpu.vector_store %arg5[%swap3A_135, %swap3A_136], %broadcast_in_dim3A_134 {strides = array<i32>} : memref<1x1xf32, #tpu.memory_space<vmem>>, vector<1x1xf32>,
    } else {
    }
    %get3A_126 = arith.constant 0 : index
    %get3A_127 = arith.constant 0 : index
    %get3A_128 = vector.load %arg5[%get3A_126, %get3A_127] : memref<1x1xf32, #tpu.memory_space<vmem>>, vector<1x1xf32>
    %reshape3A = vector.broadcast %div3A_122 : f32 to vector<1x1xf32>
    %add3A_129 = arith.addf %get3A_128, %reshape3A : vector<1x1xf32>
    %swap3A_130 = arith.constant 0 : index
    %swap3A_131 = arith.constant 0 : index
    %swap3A_132 = vector.load %arg5[%swap3A_130, %swap3A_131] : memref<1x1xf32, #tpu.memory_space<vmem>>, vector<1x1xf32>
    tpu.vector_store %arg5[%swap3A_130, %swap3A_131], %add3A_129 {strides = array<i32>} : memref<1x1xf32, #tpu.memory_space<vmem>>, vector<1x1xf32>,
    return
  }
  func.func @transform_0(%arg0: i32) -> (i32, i32, i32) {
    %c0_i32 = arith.constant 0 : i32
    %c0_i32_0 = arith.constant 0 : i32
    %c0_i32_1 = arith.constant 0 : i32
    return %arg0, %c0_i32, %c0_i32_0 : i32, i32, i32
  }
  func.func @transform_1(%arg0: i32) -> (i32, i32, i32) {
    %c0_i32 = arith.constant 0 : i32
    %c0_i32_0 = arith.constant 0 : i32
    %c0_i32_1 = arith.constant 0 : i32
    return %arg0, %c0_i32, %c0_i32_0 : i32, i32, i32
  }
  func.func @transform_2(%arg0: i32) -> (i32, i32, i32) {
    %c0_i32 = arith.constant 0 : i32
    %c0_i32_0 = arith.constant 0 : i32
    %c0_i32_1 = arith.constant 0 : i32
    return %arg0, %c0_i32, %c0_i32_0 : i32, i32, i32
  }
  func.func @transform_3(%arg0: i32) -> (i32, i32, i32) {
    %c0_i32 = arith.constant 0 : i32
    %c0_i32_0 = arith.constant 0 : i32
    %c0_i32_1 = arith.constant 0 : i32
    return %arg0, %c0_i32, %c0_i32_0 : i32, i32, i32
  }
  func.func @transform_4(%arg0: i32) -> (i32, i32) {
    %c0_i32 = arith.constant 0 : i32
    %c0_i32_0 = arith.constant 0 : i32
    %c0_i32_1 = arith.constant 0 : i32
    return %c0_i32, %c0_i32_0 : i32, i32
  }
  func.func @transform_5(%arg0: i32) -> (i32, i32, i32) {
    %c0_i32 = arith.constant 0 : i32
    %c0_i32_0 = arith.constant 0 : i32
    %c0_i32_1 = arith.constant 0 : i32
    return %arg0, %c0_i32, %c0_i32_0 : i32, i32, i32
  }
  func.func @transform_6(%arg0: i32) -> (i32, i32, i32) {
    %c0_i32 = arith.constant 0 : i32
    %c0_i32_0 = arith.constant 0 : i32
    %c0_i32_1 = arith.constant 0 : i32
    return %arg0, %c0_i32, %c0_i32_0 : i32, i32, i32
  }
  func.func @transform_7(%arg0: i32) -> (i32, i32, i32) {
    %c0_i32 = arith.constant 0 : i32
    %c0_i32_0 = arith.constant 0 : i32
    %c0_i32_1 = arith.constant 0 : i32
    return %arg0, %c0_i32, %c0_i32_0 : i32, i32, i32
  }
  func.func @transform_8(%arg0: i32) -> (i32, i32, i32) {
    %c0_i32 = arith.constant 0 : i32
    %c0_i32_0 = arith.constant 0 : i32
    %c0_i32_1 = arith.constant 0 : i32
    return %arg0, %c0_i32, %c0_i32_0 : i32, i32, i32
  }
}

</mosaic_0001>

<sc_bundles>
// kernel: kernel.4.cloned.1.call-start
scs
__scs_entry_jumppad:
0x0: {  	(pc) =	sbr.rel $0x88, $3  }
0x1: {  	(tag) =	ssettag $0x0;
	lr =	simm.s32 $0x1  }
0x2: {  	[smem:$0x3F9D] =	sst lr;
	_ =	strace $0xD0000000  }
0x3: {  	_ = 	snop  }
0x4: {  	_ = 	snop  }
0x5: {  	_ = 	snop  }
0x6: {  	_ = 	snop  }
0x7: {  	_ = 	snop  }
__scs_overlays_trampoline_lowered:
0x8: {  	[smem:$0x3FAC] =	sst s0  }
0x9: {  	[smem:$0x3FAD] =	sst s1  }
0xa: {  	[smem:$0x3FAE] =	sst s2  }
0xb: {  	[smem:$0x3FAF] =	sst s3  }
0xc: {  	[smem:$0x3FB0] =	sst s4  }
0xd: {  	[smem:$0x3FB1] =	sst s5  }
0xe: {  	[smem:$0x3FB2] =	sst s6  }
0xf: {  	[smem:$0x3FB3] =	sst s7  }
0x10: {  	[smem:$0x3FB4] =	sst s8  }
0x11: {  	[smem:$0x3FB5] =	sst s9;
	s0 =	simm.s32 @!p0 $0x0  }
0x12: {  	s1 =	sld [smem:$0x3F9B];
	s0 =	simm.s32 @p0 $0x1  }
0x13: {  	[smem:$0x3FB6] =	sst s0;
	s0 =	simm.s32 @!p1 $0x0  }
0x14: {  	s2 =	sld [smem:$0x3F9A];
	s0 =	simm.s32 @p1 $0x1  }
0x15: {  	[smem:$0x3FB7] =	sst s0;
	s0 =	simm.s32 @!p2 $0x0  }
0x16: {  	s3 =	sld [smem:$0x3FDB];
	s0 =	simm.s32 @p2 $0x1  }
0x17: {  	s4 =	simm.s32 $0x1BF5;
	[smem:$0x3FB9] =	sst s0  }
0x18: {  	s0 =	sld [smem:$0x3F9C];
	_ =	swait.ge [sflag:s4], $0x0  }
0x19: {  	s7 =	sld [smem:$0x3F9D]  }
0x1a: {  	s8 =	sadd.s32 $0xFFFFE003, lr  }
0x1b: {  	s9 =	sadd.s32 $0xFFFFFEF7, lr;
	s5 =	simm.s32 $0xFFFFFFFF;
	p2 =	slt.u32 s8, $0xFFFFF086  }
0x1c: {  	p1 =	slt.u32 s9, $0xF7A;
	s5 =	simm.s32 @!p2 $0x0  }
0x1d: {  	s5 =	simm.s32 @p1 $0x1;
	p0 =	seq.s32 s7, s2  }
0x1e: {  	s7 =	smul.u32 @!p0 $0xF7A, s2;
	p2 =	seq.s32 @!p0 s5, $0x0  }
0x1f: {  	s9 =	smul.u32 $0xF7A, s1;
	s8 =	simm.s32 @!p0 $0x1BF5;
	p2 =	por !p2, p0  }
0x20: {  	[sflag:s8] =	ssyncset.s32 @!p0 $0xFFFFF086;
	s6 =	sadd.s32 @!p0 s3, s7;
	s7 =	simm.s32 @!p0 $0x108  }
0x21: {  	s3 =	sadd.s32 s3, s9;
	s6 =	sadd.s32 @!p0 $0x88, s6;
	s7 =	simm.s32 @p2 $0x1082  }
0x22: {  	[simem:s7], [sflag:s8] =	dma.local @!p0 [hbm:s6], $0xF7A  }
0x23: {  	s9 =	sor.u32 $0xD0000000, s2;
	s6 =	simm.s32 $0x108;
	_ =	swait.ge @!p0 [sflag:s8], $0x0  }
0x24: {  	s3 =	sadd.s32 $0x88, s3;
	s6 =	simm.s32 @!p1 $0x1082;
	[sflag:s4] =	ssyncset.s32 $0xFFFFF086  }
0x25: {  	[simem:s6], [sflag:s4] =	dma.local [hbm:s3], $0xF7A  }
0x26: {  	[smem:$0x3F9D] =	sst s1;
	(tag) =	ssettag s2;
	_ =	strace s9  }
0x27: {  	s1 =	sld [smem:$0x3FAD]  }
0x28: {  	s2 =	sld [smem:$0x3FAE]  }
0x29: {  	s4 =	sld [smem:$0x3FB0]  }
0x2a: {  	p0 =	seq.s32 s5, $0x0;
	s5 =	sld [smem:$0x3FB1]  }
0x2b: {  	s6 =	sld [smem:$0x3FB2]  }
0x2c: {  	s7 =	sld [smem:$0x3FB3]  }
0x2d: {  	s3 =	simm.s32 $0x108;
	s8 =	sld [smem:$0x3FB4]  }
0x2e: {  	s3 =	simm.s32 @!p0 $0x1082;
	s9 =	sld [smem:$0x3FB5]  }
0x2f: {  	lr =	sadd.s32 s0, s3;
	s0 =	sld [smem:$0x3FAC]  }
0x30: {  	s3 =	sld [smem:$0x3FAF]  }
0x31: {  	[smem:$0x3FB8] =	sst s10  }
0x32: {  	s10 =	sld [smem:$0x3FB6];
	_ =	sdelay $0x3  }
0x33: {  	p0 =	seq.s32 s10, $0x1;
	s10 =	sld [smem:$0x3FB8];
	_ =	sdelay $0x3  }
0x34: {  	[smem:$0x3FB8] =	sst s10  }
0x35: {  	s10 =	sld [smem:$0x3FB7];
	_ =	sdelay $0x3  }
0x36: {  	p1 =	seq.s32 s10, $0x1;
	s10 =	sld [smem:$0x3FB8];
	_ =	sdelay $0x3  }
0x37: {  	[smem:$0x3FB8] =	sst s10  }
0x38: {  	s10 =	sld [smem:$0x3FB9]  }
0x39: {  	_ = 	snop;
	(pc) =	sbr.ind lr, $3  }
0x3a: {  	_ = 	snop  }
0x3b: {  	_ = 	snop  }
0x3c: {  	p2 =	seq.s32 s10, $0x1;
	s10 =	sld [smem:$0x3FB8]  }
0x3d: {  	_ =	shalt  }
0x3e: {  	_ =	shalt  }
0x3f: {  	_ =	shalt  }
0x40: {  	_ =	shalt  }
0x41: {  	_ =	shalt  }
0x42: {  	_ =	shalt  }
0x43: {  	_ =	shalt  }
0x44: {  	_ =	shalt  }
0x45: {  	_ =	shalt  }
0x46: {  	_ =	shalt  }
0x47: {  	_ =	shalt  }
0x48: {  	_ =	shalt  }
0x49: {  	_ =	shalt  }
0x4a: {  	_ =	shalt  }
0x4b: {  	_ =	shalt  }
0x4c: {  	_ =	shalt  }
0x4d: {  	_ =	shalt  }
0x4e: {  	_ =	shalt  }
0x4f: {  	_ =	shalt  }
0x50: {  	_ =	shalt  }
0x51: {  	_ =	shalt  }
0x52: {  	_ =	shalt  }
0x53: {  	_ =	shalt  }
0x54: {  	_ =	shalt  }
0x55: {  	_ =	shalt  }
0x56: {  	_ =	shalt  }
0x57: {  	_ =	shalt  }
0x58: {  	_ =	shalt  }
0x59: {  	_ =	shalt  }
0x5a: {  	_ =	shalt  }
0x5b: {  	_ =	shalt  }
0x5c: {  	_ =	shalt  }
0x5d: {  	_ =	shalt  }
0x5e: {  	_ =	shalt  }
0x5f: {  	_ =	shalt  }
0x60: {  	_ =	shalt  }
0x61: {  	_ =	shalt  }
0x62: {  	_ =	shalt  }
0x63: {  	_ =	shalt  }
0x64: {  	_ =	shalt  }
0x65: {  	_ =	shalt  }
0x66: {  	_ =	shalt  }
0x67: {  	_ =	shalt  }
0x68: {  	_ =	shalt  }
0x69: {  	_ =	shalt  }
0x6a: {  	_ =	shalt  }
0x6b: {  	_ =	shalt  }
0x6c: {  	_ =	shalt  }
0x6d: {  	_ =	shalt  }
0x6e: {  	_ =	shalt  }
0x6f: {  	_ =	shalt  }
0x70: {  	_ =	shalt  }
0x71: {  	_ =	shalt  }
0x72: {  	_ =	shalt  }
0x73: {  	_ =	shalt  }
0x74: {  	_ =	shalt  }
0x75: {  	_ =	shalt  }
0x76: {  	_ =	shalt  }
0x77: {  	_ =	shalt  }
0x78: {  	_ =	shalt  }
0x79: {  	_ =	shalt  }
0x7a: {  	_ =	shalt  }
0x7b: {  	_ =	shalt  }
0x7c: {  	_ =	shalt  }
0x7d: {  	_ =	shalt  }
0x7e: {  	_ =	shalt  }
0x7f: {  	_ =	shalt  }
0x80: {  	_ =	shalt  }
0x81: {  	_ =	shalt  }
0x82: {  	_ =	shalt  }
0x83: {  	_ =	shalt  }
0x84: {  	_ =	shalt  }
0x85: {  	_ =	shalt  }
0x86: {  	_ =	shalt  }
0x87: {  	_ =	shalt  }
.Lfunc_end0:
.L_simem_size_0:
called_computation_lowered:
.L_overlay_start_0:
0x88: {  	s2 =	sld [smem:$0x3FD9]  }
0x89: {  	s3 =	sld [smem:$0x3FFE];
	_ =	sdelay $0x1  }
0x8a: {  	s1 =	srdreg.scid  }
0x8b: {  	s0 =	sand.u32 $0x1, s1  }
0x8c: {  	s16 =	sshll.u32 s0, $0xA;
	s2 =	sadd.s32 s3, s2  }
0x8d: {  	s2 =	sadd.s32 s2, s16  }
0x8e: {  	[smem:$0x3FC4] =	sst s2  }
0x8f: {  	_ = 	snop  }
0x90: {  	(tm) =	ssettm $0x1  }
0x91: {  	s17 =	sld [smem:$0x3FFB];
	_ =	sdelay $0x3  }
0x92: {  	_ =	strace s17  }
0x93: {  	s2 =	sld [smem:$0x3FFC];
	_ =	sdelay $0x3  }
0x94: {  	_ =	strace s2  }
0x95: {  	s2 =	sld [smem:$0x3FFD];
	_ =	sdelay $0x3  }
0x96: {  	_ =	strace s2  }
0x97: {  	_ =	strace $0x8FFFFFFF  }
0x98: {  	s18 =	sld [smem:$0x3FDB];
	_ =	sdelay $0x1  }
0x99: {  	s19 =	simm.s32 $_scs_section_size  }
0x9a: {  	s4 =	simm.s32 $_size__tile_overlayer_lowered;
	s5 =	simm.s32 $_tile_overlayer_lowered  }
0x9b: {  	s22 =	simm.s32 $0x1BFF;
	s21 =	sshll.u32 s5, $0x1;
	s2 =	sadd.s32 s19, s18  }
0x9c: {  	s6 =	simm.s32 $0x0;
	s20 =	sshll.u32 s4, $0x1;
	s4 =	sadd.s32 s21, s2  }
0x9d: {  	[timem:s6], [sflag:s22] =	dma.local [hbm:s4], s20  }
0x9e: {  	_ =	swait.ge [sflag:s22], s20  }
0x9f: {  	s3 =	ssub.s32 $0x0, s20;
	[sflag:s22] =	ssyncset.done $0x0  }
0xa0: {  	[sflag:s22] =	ssyncadd.s32 s3;
	_ =	sdelay $0x1  }
0xa1: {  	s23 =	simm.s32 $0x1B8B  }
0xa2: {  	_ =	swait.ge [sflag:s23], $0x1  }
0xa3: {  	[sflag:s23] =	ssyncset.done $0x0  }
0xa4: {  	s25 =	simm.s32 $0x1B8E;
	s24 =	sld [smem:$0x3FFE];
	[sflag:s23] =	ssyncadd.s32 $0xFFFFFFFF  }
0xa5: {  	s26 =	simm.s32 $execute0_lowered;
	[smem:$0x3FD2] =	sst s25  }
0xa6: {  	s4 =	sshll.u32 s26, $0x1;
	_ =	strace $0x80000046;
	[dreg:$0x1] =	wrdreg $0xFFFFFFFF  }
0xa7: {  	s28 =	simm.s32 $_size_execute0_lowered;
	s2 =	sadd.s32 s2, s4;
	[dreg:$0x0] =	wrdreg $0x0  }
0xa8: {  	s4 =	sshll.u32 s28, $0x1;
	[dreg:$0x2] =	wrdreg s2  }
0xa9: {  	[dreg:$0x3] =	wrdreg s4  }
0xaa: {  	[dreg:$0x4] =	wrdreg $0xC0  }
0xab: {  	_ =	task [dreg:s6], $0x5FFFF  }
0xac: {  	[dreg:$0x1] =	wrdreg $0xFFFFFFFF  }
0xad: {  	[dreg:$0x0] =	wrdreg $0x60  }
0xae: {  	[dreg:$0x2] =	wrdreg s24  }
0xaf: {  	[dreg:$0x3] =	wrdreg $0x9  }
0xb0: {  	_ =	task.clear_ibuf [dreg:s6], $0x4FFFF;
	_ =	strace $0x90000046  }
0xb1: {  	s29 =	simm.s32 $0x9;
	_ =	strace $0x80000048  }
0xb2: {  	_ =	swait.ge [sflag:s29], $0x1  }
0xb3: {  	[sflag:s29] =	ssyncadd.s32 $0xFFFFFFFF  }
0xb4: {  	_ =	strace $0x90000048  }
0xb5: {  	_ =	sfence  }
0xb6: {  	s30 =	sld [smem:$0x0];
	_ =	sdelay $0x2  }
0xb7: {  	s31 =	sshll.u32 s1, $0xD;
	s1 =	sshrl.u32 s1, $0x2  }
0xb8: {  	s3 =	sand.u32 $0x4000, s31;
	s1 =	sadd.s32 s1, s30  }
0xb9: {  	s0 =	sor.u32 s3, s0;
	s1 =	sshll.u32 s1, $0x11  }
0xba: {  	s0 =	sor.u32 s1, s0  }
0xbb: {  	s0 =	sadd.s32 $0x8F2B, s0  }
0xbc: {  	[sflag:s0] =	ssyncadd.remote.s32 $0x1  }
0xbd: {  	_ =	sfence.sel $0xFFFF  }
0xbe: {  	[dreg:$0x0] =	wrdreg $0xFFFFFFFF;
	(pc) =	sbr.abs _section_cstart, $3  }
0xbf: {  	[dreg:$0x1] =	wrdreg $0xFFFFFFFF  }
0xc0: {  	_ =	task.clear_ibuf [dreg:s6], $0x2FFFF;
	_ =	strace $0x9FFFFFFF  }
0xc1: {  	(tm) =	ssettm $0x7FFFFFFF  }
tec
execute0_lowered:
.L_overlay_start_1:
0x0: {  	(tag) =	ssettag $0x1  }
0x1: {  	s0 =	stileid.u32;
	s1 =	srdreg.scid  }
0x2: {  	s3 =	rddreg [dreg:$0x0];
	s12 =	simm.s32 $0x1800;
	s13 =	simm.s32 $0x3000  }
0x3: {  	s14 =	simm.s32 $0x3200;
	s15 =	simm.s32 $0x3400;
	s4 =	sand.u32 $0x1, s1  }
0x4: {  	s2 =	sshll.u32 s0, $0x1;
	s1 =	rddreg [dreg:$0x1];
	s5 =	sshll.u32 s0, $0x6  }
0x5: {  	s6 =	sor.u32 s4, s2;
	s2 =	simm.s32 $0x0;
	s5 =	sand.u32 $0x380, s5  }
0x6: {  	s4 =	ssub.s32 $0x2, s4;
	s7 =	sand.u32 $0x3, s6;
	[smem:$0x7FF] =	sst s2  }
0x7: {  	s8 =	sshrl.u32 s5, $0x3;
	s6 =	sshll.u32 s6, $0x4;
	s30 =	sshrl.u32 s4, $0x1  }
0x8: {  	s9 =	sshll.u32 s7, $0xC;
	_ =	strace $0x80000047;
	s8 =	sadd.s32 s8, s3  }
0x9: {  	s10 =	sadd.s32 s6, s3;
	s11 =	ssub.s32 s4, s30;
	s31 =	sshll.u32 s7, $0x9  }
0xa: {  	s5 =	sor.u32 s5, s9;
	s4 =	sadd.s32 $0x1C00, s8;
	s7 =	sadd.s32 $0x4400, s10  }
0xb: {  	s16 =	sor.u32 $0x2800, s31;
	s17 =	sor.u32 $0x800, s31;
	s9 =	simm.s32 $0x80  }
0xc: {  	s10 =	simm.s32 $0x400;
	s5 =	sshrl.u32 s5, $0x3;
	v1 =	vmov s16;
	s16 =	simm.s32 $0x0  }
0xd: {  	s29 =	sadd.s32 s5, s3;
	s3 =	sadd.s32 $0x400, s8;
	s8 =	smax.u32 s11, $0x1  }
0xe: {  	v0 =	vmov s17;
	s11 =	simm.s32 $0x1;
	s5 =	sadd.s32 $0x3C00, s29;
	s6 =	sadd.s32 $0x3400, s29  }
.LBB2_1:
0xf: {  	[tilespmem:s2], [sflag:$0x1] =	stream.strided.gather [hbm4b:s3+s9], $0x1800, s10, s9, $0x38;
	[tilespmem:$0x3480] =	vst v63  }
0x10: {  	_ =	swait.ge [sflag:s11], $0x1800  }
0x11: {  	[sflag:s11] =	ssyncset.done $0x0  }
0x12: {  	[sflag:s11] =	ssyncadd.s32 $0xFFFFE800  }
0x13: {  	[tilespmem:s12], [sflag:$0x1] =	stream.strided.gather [hbm4b:s4+s9], $0x1800, s10, s9, $0x38;
	[tilespmem:$0x3480] =	vst v63  }
0x14: {  	_ =	swait.ge [sflag:s11], $0x1800  }
0x15: {  	[sflag:s11] =	ssyncset.done $0x0  }
0x16: {  	[sflag:s11] =	ssyncadd.s32 $0xFFFFE800  }
0x17: {  	[tilespmem:s13], [sflag:$0x1] =	stream.strided.gather [hbm4b:s5+s9], $0x200, s10, s9, $0x38;
	[tilespmem:$0x3480] =	vst v63  }
0x18: {  	_ =	swait.ge [sflag:s11], $0x200  }
0x19: {  	[sflag:s11] =	ssyncset.done $0x0  }
0x1a: {  	[sflag:s11] =	ssyncadd.s32 $0xFFFFFE00  }
0x1b: {  	[tilespmem:s14], [sflag:$0x1] =	stream.strided.gather [hbm4b:s6+s9], $0x200, s10, s9, $0x38;
	[tilespmem:$0x3480] =	vst v63  }
0x1c: {  	_ =	swait.ge [sflag:s11], $0x200  }
0x1d: {  	[sflag:s11] =	ssyncset.done $0x0  }
0x1e: {  	s18 =	simm.s32 $0x0;
	[sflag:s11] =	ssyncadd.s32 $0xFFFFFE00  }
0x1f: {  	v2 =	vld [tilespmem:s18+$0x3000]  }
0x20: {  	v3 =	vld [tilespmem:s18+$0x3200];
	_ =	sdelay $0x2  }
0x21: {  	v6 =	vld.idx.msk [tilespmem:v1+s18+$0xFFFFF800 ss:$0x1], $0xffff  }
0x22: {  	v7 =	vld.idx.msk [tilespmem:v0+s18+$0x800 ss:$0x1], $0xffff;
	vm0 =	vlt.s32 v2, $0x7FF  }
0x23: {  	v4 =	vld.idx.msk [tilespmem:v1+s18+$0xFFFFF000 ss:$0x1], $0xffff;
	vm1 =	vlt.s32 v3, $0x7FF;
	v2 =	vnsel vm0, $0x7FF, v2  }
0x24: {  	v8 =	vld.idx.msk [tilespmem:v0+s18+$0x0 ss:$0x1], $0xffff;
	v3 =	vnsel vm1, $0x7FF, v3  }
0x25: {  	s17 =	simm.s32 $0x10;
	v5 =	vld.idx.msk [tilespmem:v0+s18+$0xFFFFF800 ss:$0x1], $0xffff  }
0x26: {  	v11 =	vld [tilespmem:s17+$0x3200];
	v9 =	vadd.s32 $0x800, v2  }
0x27: {  	v12 =	vld [tilespmem:s17+$0x3000];
	v10 =	vadd.s32 $0x800, v3  }
0x28: {  	v13 =	vadd.s32 $0x1000, v2;
	v2 =	vld.idx.msk [tilespmem:v2+s12+$0x0], $0xffff  }
0x29: {  	v14 =	vld.idx.msk [tilespmem:v3+s2+$0x0], $0xffff;
	v3 =	vadd.s32 $0x1000, v3  }
0x2a: {  	v15 =	vld.idx.msk [tilespmem:v1+s18+$0x0 ss:$0x1], $0xffff  }
0x2b: {  	v9 =	vld.idx.msk [tilespmem:v9+s12+$0x0], $0xffff  }
0x2c: {  	v10 =	vld.idx.msk [tilespmem:v10+s2+$0x0], $0xffff  }
0x2d: {  	v13 =	vld.idx.msk [tilespmem:v13+s12+$0x0], $0xffff  }
0x2e: {  	v16 =	vld.idx.msk [tilespmem:v3+s2+$0x0], $0xffff;
	v2 =	vmul.f32 v5, v2  }
0x2f: {  	vm14 =	vlt.s32 v12, $0x7FF;
	v5 =	vld.idx.msk [tilespmem:v1+s17+$0xFFFFF800 ss:$0x1], $0xffff;
	v14 =	vmul.f32 v4, v14  }
0x30: {  	vm15 =	vlt.s32 v11, $0x7FF;
	v3 =	vld.idx.msk [tilespmem:v0+s17+$0x800 ss:$0x1], $0xffff;
	v8 =	vmul.f32 v8, v9;
	v2 =	vadd.f32 $0.0e+00, v2  }
0x31: {  	v12 =	vnsel vm14, $0x7FF, v12;
	v4 =	vld.idx.msk [tilespmem:v1+s17+$0xFFFFF000 ss:$0x1], $0xffff;
	v9 =	vmul.f32 v6, v10;
	v10 =	vadd.f32 $0.0e+00, v14  }
0x32: {  	v17 =	vnsel vm15, $0x7FF, v11;
	v6 =	vld.idx.msk [tilespmem:v0+s17+$0x0 ss:$0x1], $0xffff;
	v11 =	vmul.f32 v7, v13;
	v2 =	vadd.f32 v8, v2  }
0x33: {  	s18 =	simm.s32 $0x20;
	v7 =	vld.idx.msk [tilespmem:v0+s17+$0xFFFFF800 ss:$0x1], $0xffff;
	v13 =	vadd.s32 $0x800, v12;
	v10 =	vadd.f32 v9, v10  }
0x34: {  	v8 =	vld [tilespmem:s18+$0x3200];
	v14 =	vmul.f32 v15, v16;
	v15 =	vadd.s32 $0x800, v17;
	v18 =	vadd.f32 v11, v2  }
0x35: {  	v9 =	vld [tilespmem:s18+$0x3000];
	v16 =	vadd.s32 $0x1000, v12  }
0x36: {  	v11 =	vld.idx.msk [tilespmem:v12+s12+$0x0], $0xffff;
	v19 =	vadd.f32 v14, v10;
	v10 =	vand.u32 $0x7FFFFFFF, v18  }
0x37: {  	v12 =	vld.idx.msk [tilespmem:v17+s2+$0x0], $0xffff;
	v17 =	vadd.s32 $0x1000, v17;
	v10 =	vsub.f32 $2.000000000e+00, v10  }
0x38: {  	s19 =	simm.s32 $0xC0;
	v2 =	vimm.f32 $0.0e+00;
	v14 =	vld.idx.msk [tilespmem:v13+s12+$0x0], $0xffff;
	v13 =	vand.u32 $0x7FFFFFFF, v19  }
.LBB2_2:
0x39: {  	p0 =	sne.s32 s19, $0x7C0;
	v15 =	vld.idx.msk [tilespmem:v15+s2+$0x0], $0xffff;
	v10 =	vsub.f32 v10, v13  }
0x3a: {  	v13 =	vld.idx.msk [tilespmem:v16+s12+$0x0], $0xffff  }
0x3b: {  	v16 =	vld.idx.msk [tilespmem:v1+s17+$0x0 ss:$0x1], $0xffff;
	v2 =	vadd.f32 v10, v2;
	s17 =	smov.u32 s18  }
0x3c: {  	v7 =	vmul.f32 v7, v11;
	v10 =	vld.idx.msk [tilespmem:v17+s2+$0x0], $0xffff  }
0x3d: {  	vm1 =	vlt.s32 v8, $0x7FF;
	vm0 =	vlt.s32 v9, $0x7FF;
	v11 =	vld.idx.msk [tilespmem:v1+s17+$0xFFFFF800 ss:$0x1], $0xffff  }
0x3e: {  	v12 =	vmul.f32 v4, v12;
	v7 =	vadd.f32 $0.0e+00, v7;
	v14 =	vmul.f32 v6, v14;
	v17 =	vld.idx.msk [tilespmem:v0+s17+$0x800 ss:$0x1], $0xffff  }
0x3f: {  	v19 =	vnsel vm1, $0x7FF, v8;
	v18 =	vnsel vm0, $0x7FF, v9;
	v5 =	vmul.f32 v5, v15;
	v4 =	vld.idx.msk [tilespmem:v1+s17+$0xFFFFF000 ss:$0x1], $0xffff  }
0x40: {  	v9 =	vadd.f32 $0.0e+00, v12;
	v12 =	vadd.f32 v14, v7;
	v3 =	vmul.f32 v3, v13;
	v6 =	vld.idx.msk [tilespmem:v0+s17+$0x0 ss:$0x1], $0xffff  }
0x41: {  	s18 =	sshra.s32 s19, $0x2;
	v15 =	vadd.s32 $0x800, v19;
	v13 =	vadd.s32 $0x800, v18;
	v7 =	vld.idx.msk [tilespmem:v0+s17+$0xFFFFF800 ss:$0x1], $0xffff  }
.Ltmp0:
0x42: {  	v14 =	vadd.f32 v5, v9;
	v12 =	vadd.f32 v3, v12;
	v10 =	vmul.f32 v16, v10;
	v8 =	vld [tilespmem:s18+$0x3200];
	(pc) =	sbr.rel @p0 .LBB2_2-.Ltmp0, $4  }
0x43: {  	v16 =	vadd.s32 $0x1000, v18;
	v5 =	vmov v11;
	v9 =	vld [tilespmem:s18+$0x3000]  }
0x44: {  	v3 =	vmov v17;
	v11 =	vld.idx.msk [tilespmem:v18+s12+$0x0], $0xffff;
	v18 =	vadd.f32 v10, v14;
	v10 =	vand.u32 $0x7FFFFFFF, v12  }
0x45: {  	v17 =	vadd.s32 $0x1000, v19;
	v12 =	vld.idx.msk [tilespmem:v19+s2+$0x0], $0xffff;
	v10 =	vsub.f32 $2.000000000e+00, v10  }
0x46: {  	s19 =	sadd.s32 $0x40, s19;
	v14 =	vld.idx.msk [tilespmem:v13+s12+$0x0], $0xffff;
	v13 =	vand.u32 $0x7FFFFFFF, v18  }
0x47: {  	_ =	sdelay $0x3  }
0x48: {  	v15 =	vld.idx.msk [tilespmem:v15+s2+$0x0], $0xffff  }
0x49: {  	v16 =	vld.idx.msk [tilespmem:v16+s12+$0x0], $0xffff  }
0x4a: {  	v18 =	vld.idx.msk [tilespmem:v1+s17+$0x0 ss:$0x1], $0xffff  }
0x4b: {  	v17 =	vld.idx.msk [tilespmem:v17+s2+$0x0], $0xffff;
	vm0 =	vlt.s32 v9, $0x7FF  }
0x4c: {  	vm1 =	vlt.s32 v8, $0x7FF;
	v19 =	vld.idx.msk [tilespmem:v1+s18+$0xFFFFF800 ss:$0x1], $0xffff;
	v9 =	vnsel vm0, $0x7FF, v9  }
0x4d: {  	v20 =	vld.idx.msk [tilespmem:v0+s18+$0x800 ss:$0x1], $0xffff;
	v8 =	vnsel vm1, $0x7FF, v8  }
0x4e: {  	v21 =	vld.idx.msk [tilespmem:v1+s18+$0xFFFFF000 ss:$0x1], $0xffff;
	v22 =	vadd.s32 $0x800, v9  }
0x4f: {  	v23 =	vld.idx.msk [tilespmem:v0+s18+$0x0 ss:$0x1], $0xffff;
	v24 =	vadd.s32 $0x800, v8  }
0x50: {  	v25 =	vld.idx.msk [tilespmem:v0+s18+$0xFFFFF800 ss:$0x1], $0xffff;
	v26 =	vadd.s32 $0x1000, v9  }
0x51: {  	v9 =	vld.idx.msk [tilespmem:v9+s12+$0x0], $0xffff  }
0x52: {  	v27 =	vld.idx.msk [tilespmem:v8+s2+$0x0], $0xffff;
	v8 =	vadd.s32 $0x1000, v8  }
0x53: {  	v7 =	vmul.f32 v7, v11;
	v50 =	vld.idx.msk [tilespmem:v22+s12+$0x0], $0xffff  }
0x54: {  	v4 =	vmul.f32 v4, v12;
	v51 =	vld.idx.msk [tilespmem:v24+s2+$0x0], $0xffff  }
0x55: {  	v6 =	vmul.f32 v6, v14;
	v7 =	vadd.f32 $0.0e+00, v7;
	v52 =	vld.idx.msk [tilespmem:v26+s12+$0x0], $0xffff  }
0x56: {  	v53 =	vld.idx.msk [tilespmem:v1+s18+$0x0 ss:$0x1], $0xffff;
	v5 =	vmul.f32 v5, v15;
	v4 =	vadd.f32 $0.0e+00, v4;
	v9 =	vmul.f32 v25, v9  }
0x57: {  	v3 =	vmul.f32 v3, v16;
	v57 =	vmul.f32 v18, v17;
	v6 =	vadd.f32 v6, v7;
	v54 =	vld.idx.msk [tilespmem:v8+s2+$0x0], $0xffff  }
0x58: {  	v55 =	vmul.f32 v21, v27;
	v56 =	vmul.f32 v23, v50;
	v9 =	vadd.f32 $0.0e+00, v9  }
0x59: {  	v4 =	vadd.f32 v5, v4;
	v3 =	vadd.f32 v3, v6;
	v58 =	vmul.f32 v19, v51  }
0x5a: {  	v7 =	vadd.f32 $0.0e+00, v55;
	v59 =	vmul.f32 v20, v52;
	v8 =	vadd.f32 v56, v9  }
0x5b: {  	v10 =	vsub.f32 v10, v13;
	v4 =	vadd.f32 v57, v4;
	v3 =	vand.u32 $0x7FFFFFFF, v3  }
0x5c: {  	v60 =	vadd.f32 v58, v7;
	v5 =	vmul.f32 v53, v54;
	v61 =	vadd.f32 v59, v8  }
0x5d: {  	v2 =	vadd.f32 v10, v2;
	v3 =	vsub.f32 $2.000000000e+00, v3  }
0x5e: {  	v4 =	vand.u32 $0x7FFFFFFF, v4;
	v5 =	vadd.f32 v5, v60;
	v62 =	vand.u32 $0x7FFFFFFF, v61  }
0x5f: {  	v3 =	vsub.f32 v3, v4;
	v63 =	vsub.f32 $2.000000000e+00, v62  }
0x60: {  	v5 =	vand.u32 $0x7FFFFFFF, v5  }
0x61: {  	v2 =	vadd.f32 v3, v2;
	v3 =	vsub.f32 v63, v5;
	_ =	sdelay $0x1  }
0x62: {  	s16 =	sadd.s32 $0x1, s16;
	v2 =	vadd.f32 v3, v2  }
0x63: {  	p0 =	sne.s32 s16, s8  }
.Ltmp1:
0x64: {  	[tilespmem:$0x3400] =	vst v2;
	(pc) =	sbr.rel @p0 .LBB2_1-.Ltmp1, $4  }
0x65: {  	[hbm4b:s7+s2] =	stream.linear.scatter [tilespmem:s15], [sflag:$0x1], $0x80, $0x38;
	[tilespmem:$0x3480] =	vst v63  }
0x66: {  	_ =	swait.ge [sflag:s11], $0x80  }
0x67: {  	[sflag:s11] =	ssyncset.done $0x0  }
0x68: {  	[sflag:s11] =	ssyncadd.s32 $0xFFFFFF80  }
0x69: {  	_ =	sfence.sel $0x180000  }
0x6a: {  	[bflag:$0x0] =	sbarrier.arrive $0xFFFF  }
0x6b: {  	p0 =	sne.s32 s0, $0x0;
	_ =	strace $0x90000047  }
0x6c: {  	s0 =	sadd.s32 @!p0 $0x100000, s1;
	[bflag:$0x2] =	sbarrier.arrive $0xFFFF  }
0x6d: {  	[sflag:s0] =	ssyncadd.tile.s32 @!p0 $0x1;
	_ =	shalt  }
.Lfunc_end2:
_tile_overlayer_lowered:
.L_overlay_start_2:
0x6e: {  	(tag) =	ssettag $0x2  }
0x6f: {  	s0 =	rddreg [dreg:$0x0];
	s2 =	stileid.u32  }
0x70: {  	s1 =	rddreg [dreg:$0x1];
	p0 =	sne.s32 s2, $0x0  }
0x71: {  	s3 =	rddreg [dreg:$0x2];
	[bflag:$0x3] =	sbarrier.arrive $0xFFFF;
	s2 =	simm.s32 @!p0 $0x1C01  }
0x72: {  	[timem:s3], [sflag:s2] =	dma.local @!p0 [hbm:s0], s1  }
0x73: {  	s0 =	simm.s32 @!p0 $0x1  }
0x74: {  	_ =	swait.ge @!p0 [sflag:s0], s1  }
0x75: {  	s1 =	ssub.s32 @!p0 $0x0, s1;
	[sflag:s0] =	ssyncset.done @!p0 $0x0  }
0x76: {  	[sflag:s0] =	ssyncadd.s32 @!p0 s1  }
0x77: {  	[bflag:$0x3] =	sbarrier.arrive $0xFFFF  }
0x78: {  	_ =	shalt  }

</sc_bundles>
